<compile_context>
chip_gen: v7x
topology: tpu7x:2x2x1
jax: 0.10.2.dev20260603
libtpu: 0.0.44.dev20260713+nightly
codegen_flags: <defaults>
</compile_context>

<pallas_src>
import functools

import jax
import jax.numpy as jnp
from jax import lax
from jax.experimental import pallas as pl
from jax.experimental.pallas import tpu as pltpu
from jax.experimental.pallas import tpu_sc as plsc

_IDX_CHUNK = 128


def _sc_gather(table, idx):
    B = idx.shape[0]
    D = table.shape[1]
    V = table.shape[0]
    pairs = table.reshape(V // 2, 2 * D)
    pair_idx = lax.shift_right_logical(idx, 1)
    info = plsc.get_sparse_core_info()
    nc, ns = info.num_cores, info.num_subcores
    nw = nc * ns
    b_per_w = B // nw
    n_chunks = b_per_w // _IDX_CHUNK
    mesh = plsc.VectorSubcoreMesh(core_axis_name="c", subcore_axis_name="s")

    @functools.partial(
        pl.kernel,
        mesh=mesh,
        out_type=jax.ShapeDtypeStruct((B, 2 * D), jnp.float32),
        scratch_types=[
            pltpu.VMEM((b_per_w,), jnp.int32),
            pltpu.VMEM((b_per_w, 2 * D), jnp.float32),
            pltpu.SemaphoreType.DMA,
        ],
    )
    def k(table_hbm, idx_hbm, out_hbm, idx_v, rows_v, sem):
        wid = lax.axis_index("s") * nc + lax.axis_index("c")
        base = wid * b_per_w
        pltpu.sync_copy(idx_hbm.at[pl.ds(base, b_per_w)], idx_v)
        for g in range(n_chunks):
            pltpu.make_async_copy(
                table_hbm.at[idx_v.at[pl.ds(g * _IDX_CHUNK, _IDX_CHUNK)]],
                rows_v.at[pl.ds(g * _IDX_CHUNK, _IDX_CHUNK)],
                sem,
            ).start()
        pltpu.make_async_copy(
            table_hbm.at[pl.ds(0, b_per_w)], rows_v, sem
        ).wait()
        pltpu.sync_copy(rows_v, out_hbm.at[pl.ds(base, b_per_w)])

    return k(pairs, pair_idx)


def _tc_dense(pairs, parity, mean, W1, b1):
    B = pairs.shape[0]
    D = mean.shape[1]
    blk = 2048

    def body(e_ref, p_ref, m_ref, w_ref, b_ref, o_ref):
        x = jnp.where(p_ref[...] > 0, e_ref[:, D:], e_ref[:, :D])
        x = x + m_ref[...]
        y = lax.dot_general(
            x, w_ref[...], (((1,), (1,)), ((), ())),
            preferred_element_type=jnp.float32,
        )
        y = y + b_ref[...]
        o_ref[...] = jnp.where(y >= 0, y, 0.2 * y)

    return pl.pallas_call(
        body,
        grid=(B // blk,),
        in_specs=[
            pl.BlockSpec((blk, 2 * D), lambda i: (i, 0)),
            pl.BlockSpec((blk, 1), lambda i: (i, 0)),
            pl.BlockSpec((blk, D), lambda i: (i, 0)),
            pl.BlockSpec((D, D), lambda i: (0, 0)),
            pl.BlockSpec((1, D), lambda i: (0, 0)),
        ],
        out_specs=pl.BlockSpec((blk, D), lambda i: (i, 0)),
        out_shape=jax.ShapeDtypeStruct((B, D), jnp.float32),
    )(pairs, parity, mean, W1, b1.reshape(1, D))


def kernel(user_idx, mean_poi_embeddings, user_embedding, W1, b1):
    idx = user_idx.astype(jnp.int32)
    pairs = _sc_gather(user_embedding, idx)
    parity = (idx & 1).reshape(-1, 1)
    return _tc_dense(pairs, parity, mean_poi_embeddings, W1, b1)

# --- scband reference (transcript-rebuilt; emitter-appended) ---
"""Pipeline reference for scband-user-embeddings-88545045775038 (READ-ONLY COPY).

The authoritative reference and input builder live on the scoring server;
editing this copy changes nothing except your own understanding.
"""

import jax, jax.numpy as jnp
import numpy as np

NUM_USERS = 1000000
EMBED_DIM = 64
BATCH = 16384


def setup_inputs(seed: int = 0) -> dict:
    key = jax.random.key(seed)
    k1, k2, k3, k4, k5 = jax.random.split(key, 5)
    user_idx = jax.random.randint(k1, (BATCH,), 0, NUM_USERS, dtype=jnp.int64 if jax.config.jax_enable_x64 else jnp.int32)
    mean_poi_embeddings = jax.random.normal(k2, (BATCH, EMBED_DIM), dtype=jnp.float32)
    stdv = 1.0 / np.sqrt(EMBED_DIM)
    user_embedding = jax.random.uniform(k3, (NUM_USERS, EMBED_DIM), minval=-stdv, maxval=stdv, dtype=jnp.float32)
    W1 = jax.random.uniform(k4, (EMBED_DIM, EMBED_DIM), minval=-stdv, maxval=stdv, dtype=jnp.float32)
    b1 = jax.random.uniform(k5, (EMBED_DIM,), minval=-stdv, maxval=stdv, dtype=jnp.float32)
    return {
        "user_idx": user_idx,
        "mean_poi_embeddings": mean_poi_embeddings,
        "user_embedding": user_embedding,
        "W1": W1,
        "b1": b1,
    }


def reference(user_idx, mean_poi_embeddings, user_embedding, W1, b1):
    # nn.Embedding lookup -> gather
    embed = jnp.take(user_embedding, user_idx, axis=0)
    embed = embed + mean_poi_embeddings
    # nn.Linear: x @ W.T + b
    embed = embed @ W1.T + b1
    # LeakyReLU(0.2)
    embed = jnp.where(embed >= 0, embed, 0.2 * embed)
    return embed

if __name__ == "__main__":
    import jax
    _d = setup_inputs()
    print(jax.jit(kernel)(*tuple(_d.values())))

</pallas_src>

<mosaic_0001>
#map = affine_map<(d0, d1) -> (0, 0)>
#map1 = affine_map<(d0, d1) -> (0)>
module attributes {stable_mosaic.version = 14 : i64} {
  func.func @k(%arg0: i32, %arg1: i32, %arg2: memref<500000x128xf32, #tpu.memory_space<hbm>>, %arg3: memref<16384xi32, #tpu.memory_space<hbm>>, %arg4: memref<16384x128xf32, #tpu.memory_space<hbm>>, %arg5: memref<512xi32, #tpu.memory_space<vmem>>, %arg6: memref<512x128xf32, #tpu.memory_space<vmem>>, %arg7: memref<!tpu.dma_semaphore, #tpu.memory_space<semaphore_mem>>) attributes {dimension_semantics = [#tpu.dimension_semantics<core_parallel>, #tpu.dimension_semantics<subcore_parallel>], iteration_bounds = array<i64: 2, 16>, scalar_prefetch = 0 : i64, scratch_operands = 3 : i64, tpu.core_type = #tpu.core_type<sc_vector_subcore>, window_params = [{transform_indices = #map}, {transform_indices = #map1}, {transform_indices = #map}]} {
    %mul3A = arith.constant 2 : i32
    %mul3A_0 = arith.muli %arg1, %mul3A : i32
    %add3A = arith.addi %mul3A_0, %arg0 : i32
    %mul3A_1 = arith.constant 512 : i32
    %mul3A_2 = arith.muli %add3A, %mul3A_1 : i32
    "tpu.region"() ({
      %run_scoped3A = tpu.sem_alloc : memref<!tpu.dma_semaphore, #tpu.memory_space<semaphore_mem>>
      %dma_start3A_39 = tpu.memref_slice %arg3[%mul3A_2] : memref<16384xi32, #tpu.memory_space<hbm>> -> memref<512xi32, #tpu.memory_space<hbm>>
      %dma_start3A_40 = tpu.memref_slice %arg3[%mul3A_2] : memref<16384xi32, #tpu.memory_space<hbm>> -> memref<512xi32, #tpu.memory_space<hbm>>
      tpu.enqueue_dma source(%dma_start3A_40 : memref<512xi32, #tpu.memory_space<hbm>>) target(%arg5 : memref<512xi32, #tpu.memory_space<vmem>>) target_semaphore(%run_scoped3A : memref<!tpu.dma_semaphore, #tpu.memory_space<semaphore_mem>>)
      %dma_wait3A_41 = tpu.memref_slice %arg3[%mul3A_2] : memref<16384xi32, #tpu.memory_space<hbm>> -> memref<512xi32, #tpu.memory_space<hbm>>
      %dma_wait3A_42 = tpu.memref_slice %arg3[%mul3A_2] : memref<16384xi32, #tpu.memory_space<hbm>> -> memref<512xi32, #tpu.memory_space<hbm>>
      tpu.wait_dma2 semaphore(%run_scoped3A : memref<!tpu.dma_semaphore, #tpu.memory_space<semaphore_mem>>) src(%dma_wait3A_42 : memref<512xi32, #tpu.memory_space<hbm>>) dst(%arg5 : memref<512xi32, #tpu.memory_space<vmem>>)
      tpu.yield
    }) : () -> ()
    %dma_start3A = arith.constant 0 : i32
    %dma_start3A_3 = arith.constant 0 : i32
    %dma_start3A_4 = tpu.memref_slice %arg6[%dma_start3A, %dma_start3A_3] : memref<512x128xf32, #tpu.memory_space<vmem>> -> memref<128x128xf32, #tpu.memory_space<vmem>>
    %dma_start3A_5 = arith.constant 0 : i32
    %dma_start3A_6 = tpu.memref_slice %arg5[%dma_start3A_5] : memref<512xi32, #tpu.memory_space<vmem>> -> memref<128xi32, #tpu.memory_space<vmem>>
    %dma_start3A_7 = arith.constant 0 : i32
    %dma_start3A_8 = arith.constant 0 : i32
    %dma_start3A_9 = tpu.memref_slice %arg2[%dma_start3A_7, %dma_start3A_8] : memref<500000x128xf32, #tpu.memory_space<hbm>> -> memref<500000x128xf32, #tpu.memory_space<hbm>>
    tpu.enqueue_indirect_dma source(%dma_start3A_9 : memref<500000x128xf32, #tpu.memory_space<hbm>>) target(%dma_start3A_4 : memref<128x128xf32, #tpu.memory_space<vmem>>) offsets(%dma_start3A_6 : memref<128xi32, #tpu.memory_space<vmem>>) semaphore(%arg7 : memref<!tpu.dma_semaphore, #tpu.memory_space<semaphore_mem>>)
    %dma_start3A_10 = arith.constant 128 : i32
    %dma_start3A_11 = arith.constant 0 : i32
    %dma_start3A_12 = tpu.memref_slice %arg6[%dma_start3A_10, %dma_start3A_11] : memref<512x128xf32, #tpu.memory_space<vmem>> -> memref<128x128xf32, #tpu.memory_space<vmem>>
    %dma_start3A_13 = arith.constant 128 : i32
    %dma_start3A_14 = tpu.memref_slice %arg5[%dma_start3A_13] : memref<512xi32, #tpu.memory_space<vmem>> -> memref<128xi32, #tpu.memory_space<vmem>>
    %dma_start3A_15 = arith.constant 0 : i32
    %dma_start3A_16 = arith.constant 0 : i32
    %dma_start3A_17 = tpu.memref_slice %arg2[%dma_start3A_15, %dma_start3A_16] : memref<500000x128xf32, #tpu.memory_space<hbm>> -> memref<500000x128xf32, #tpu.memory_space<hbm>>
    tpu.enqueue_indirect_dma source(%dma_start3A_17 : memref<500000x128xf32, #tpu.memory_space<hbm>>) target(%dma_start3A_12 : memref<128x128xf32, #tpu.memory_space<vmem>>) offsets(%dma_start3A_14 : memref<128xi32, #tpu.memory_space<vmem>>) semaphore(%arg7 : memref<!tpu.dma_semaphore, #tpu.memory_space<semaphore_mem>>)
    %dma_start3A_18 = arith.constant 256 : i32
    %dma_start3A_19 = arith.constant 0 : i32
    %dma_start3A_20 = tpu.memref_slice %arg6[%dma_start3A_18, %dma_start3A_19] : memref<512x128xf32, #tpu.memory_space<vmem>> -> memref<128x128xf32, #tpu.memory_space<vmem>>
    %dma_start3A_21 = arith.constant 256 : i32
    %dma_start3A_22 = tpu.memref_slice %arg5[%dma_start3A_21] : memref<512xi32, #tpu.memory_space<vmem>> -> memref<128xi32, #tpu.memory_space<vmem>>
    %dma_start3A_23 = arith.constant 0 : i32
    %dma_start3A_24 = arith.constant 0 : i32
    %dma_start3A_25 = tpu.memref_slice %arg2[%dma_start3A_23, %dma_start3A_24] : memref<500000x128xf32, #tpu.memory_space<hbm>> -> memref<500000x128xf32, #tpu.memory_space<hbm>>
    tpu.enqueue_indirect_dma source(%dma_start3A_25 : memref<500000x128xf32, #tpu.memory_space<hbm>>) target(%dma_start3A_20 : memref<128x128xf32, #tpu.memory_space<vmem>>) offsets(%dma_start3A_22 : memref<128xi32, #tpu.memory_space<vmem>>) semaphore(%arg7 : memref<!tpu.dma_semaphore, #tpu.memory_space<semaphore_mem>>)
    %dma_start3A_26 = arith.constant 384 : i32
    %dma_start3A_27 = arith.constant 0 : i32
    %dma_start3A_28 = tpu.memref_slice %arg6[%dma_start3A_26, %dma_start3A_27] : memref<512x128xf32, #tpu.memory_space<vmem>> -> memref<128x128xf32, #tpu.memory_space<vmem>>
    %dma_start3A_29 = arith.constant 384 : i32
    %dma_start3A_30 = tpu.memref_slice %arg5[%dma_start3A_29] : memref<512xi32, #tpu.memory_space<vmem>> -> memref<128xi32, #tpu.memory_space<vmem>>
    %dma_start3A_31 = arith.constant 0 : i32
    %dma_start3A_32 = arith.constant 0 : i32
    %dma_start3A_33 = tpu.memref_slice %arg2[%dma_start3A_31, %dma_start3A_32] : memref<500000x128xf32, #tpu.memory_space<hbm>> -> memref<500000x128xf32, #tpu.memory_space<hbm>>
    tpu.enqueue_indirect_dma source(%dma_start3A_33 : memref<500000x128xf32, #tpu.memory_space<hbm>>) target(%dma_start3A_28 : memref<128x128xf32, #tpu.memory_space<vmem>>) offsets(%dma_start3A_30 : memref<128xi32, #tpu.memory_space<vmem>>) semaphore(%arg7 : memref<!tpu.dma_semaphore, #tpu.memory_space<semaphore_mem>>)
    %dma_wait3A = arith.constant 0 : i32
    %dma_wait3A_34 = arith.constant 0 : i32
    %dma_wait3A_35 = tpu.memref_slice %arg2[%dma_wait3A, %dma_wait3A_34] : memref<500000x128xf32, #tpu.memory_space<hbm>> -> memref<512x128xf32, #tpu.memory_space<hbm>>
    %dma_wait3A_36 = arith.constant 0 : i32
    %dma_wait3A_37 = arith.constant 0 : i32
    %dma_wait3A_38 = tpu.memref_slice %arg2[%dma_wait3A_36, %dma_wait3A_37] : memref<500000x128xf32, #tpu.memory_space<hbm>> -> memref<512x128xf32, #tpu.memory_space<hbm>>
    tpu.wait_dma2 semaphore(%arg7 : memref<!tpu.dma_semaphore, #tpu.memory_space<semaphore_mem>>) src(%dma_wait3A_38 : memref<512x128xf32, #tpu.memory_space<hbm>>) dst(%arg6 : memref<512x128xf32, #tpu.memory_space<vmem>>)
    "tpu.region"() ({
      %run_scoped3A = tpu.sem_alloc : memref<!tpu.dma_semaphore, #tpu.memory_space<semaphore_mem>>
      %dma_start3A_39 = arith.constant 0 : i32
      %dma_start3A_40 = tpu.memref_slice %arg4[%mul3A_2, %dma_start3A_39] : memref<16384x128xf32, #tpu.memory_space<hbm>> -> memref<512x128xf32, #tpu.memory_space<hbm>>
      %dma_start3A_41 = arith.constant 0 : i32
      %dma_start3A_42 = tpu.memref_slice %arg4[%mul3A_2, %dma_start3A_41] : memref<16384x128xf32, #tpu.memory_space<hbm>> -> memref<512x128xf32, #tpu.memory_space<hbm>>
      tpu.enqueue_dma source(%arg6 : memref<512x128xf32, #tpu.memory_space<vmem>>) target(%dma_start3A_42 : memref<512x128xf32, #tpu.memory_space<hbm>>) target_semaphore(%run_scoped3A : memref<!tpu.dma_semaphore, #tpu.memory_space<semaphore_mem>>)
      %dma_wait3A_43 = arith.constant 0 : i32
      %dma_wait3A_44 = tpu.memref_slice %arg4[%mul3A_2, %dma_wait3A_43] : memref<16384x128xf32, #tpu.memory_space<hbm>> -> memref<512x128xf32, #tpu.memory_space<hbm>>
      %dma_wait3A_45 = arith.constant 0 : i32
      %dma_wait3A_46 = tpu.memref_slice %arg4[%mul3A_2, %dma_wait3A_45] : memref<16384x128xf32, #tpu.memory_space<hbm>> -> memref<512x128xf32, #tpu.memory_space<hbm>>
      tpu.wait_dma2 semaphore(%run_scoped3A : memref<!tpu.dma_semaphore, #tpu.memory_space<semaphore_mem>>) src(%arg6 : memref<512x128xf32, #tpu.memory_space<vmem>>) dst(%dma_wait3A_46 : memref<512x128xf32, #tpu.memory_space<hbm>>)
      tpu.yield
    }) : () -> ()
    return
  }
}

module attributes {stable_mosaic.version = 14 : i64} {
  func.func @body(%arg0: i32, %arg1: memref<2048x128xf32, #tpu.memory_space<vmem>>, %arg2: memref<2048x1xi32, #tpu.memory_space<vmem>>, %arg3: memref<2048x64xf32, #tpu.memory_space<vmem>>, %arg4: memref<64x64xf32, #tpu.memory_space<vmem>>, %arg5: memref<1x64xf32, #tpu.memory_space<vmem>>, %arg6: memref<2048x64xf32, #tpu.memory_space<vmem>>) attributes {dimension_semantics = [#tpu.dimension_semantics<arbitrary>], iteration_bounds = array<i64: 8>, scalar_prefetch = 0 : i64, scratch_operands = 0 : i64, tpu.core_type = #tpu.core_type<tc>, window_params = [{transform_indices = @transform_0, window_bounds = array<i64: 2048, 128>}, {transform_indices = @transform_1, window_bounds = array<i64: 2048, 1>}, {transform_indices = @transform_2, window_bounds = array<i64: 2048, 64>}, {pipeline_mode = #tpu.pipeline_mode<synchronous>, transform_indices = @transform_3, window_bounds = array<i64: 64, 64>}, {pipeline_mode = #tpu.pipeline_mode<synchronous>, transform_indices = @transform_4, window_bounds = array<i64: 1, 64>}, {transform_indices = @transform_5, window_bounds = array<i64: 2048, 64>}]} {
    %get3A = arith.constant 0 : index
    %get3A_0 = arith.constant 0 : index
    %get3A_1 = vector.load %arg2[%get3A, %get3A_0] : memref<2048x1xi32, #tpu.memory_space<vmem>>, vector<2048x1xi32>
    %gt3A = arith.constant 0 : i32
    %gt3A_2 = vector.broadcast %gt3A : i32 to vector<2048x1xi32>
    %gt3A_3 = arith.cmpi sgt, %get3A_1, %gt3A_2 : vector<2048x1xi32>
    %get3A_4 = arith.constant 0 : index
    %get3A_5 = arith.constant 64 : index
    %get3A_6 = vector.load %arg1[%get3A_4, %get3A_5] : memref<2048x128xf32, #tpu.memory_space<vmem>>, vector<2048x64xf32>
    %get3A_7 = arith.constant 0 : index
    %get3A_8 = arith.constant 0 : index
    %get3A_9 = vector.load %arg1[%get3A_7, %get3A_8] : memref<2048x128xf32, #tpu.memory_space<vmem>>, vector<2048x64xf32>
    %broadcast_in_dim3A = vector.shape_cast %gt3A_3 : vector<2048x1xi1> to vector<2048x1xi1>
    %broadcast_in_dim3A_10 = vector.broadcast %broadcast_in_dim3A : vector<2048x1xi1> to vector<2048x64xi1>
    %select_n3A = arith.select %broadcast_in_dim3A_10, %get3A_6, %get3A_9 : vector<2048x64xi1>, vector<2048x64xf32>
    %get3A_11 = arith.constant 0 : index
    %get3A_12 = arith.constant 0 : index
    %get3A_13 = vector.load %arg3[%get3A_11, %get3A_12] : memref<2048x64xf32, #tpu.memory_space<vmem>>, vector<2048x64xf32>
    %add3A = arith.addf %select_n3A, %get3A_13 : vector<2048x64xf32>
    %get3A_14 = arith.constant 0 : index
    %get3A_15 = arith.constant 0 : index
    %get3A_16 = vector.load %arg4[%get3A_14, %get3A_15] : memref<64x64xf32, #tpu.memory_space<vmem>>, vector<64x64xf32>
    %dot_general3A = arith.constant dense<0.000000e+00> : vector<2048x64xf32>
    %dot_general3A_17 = tpu.matmul %add3A, %get3A_16, %dot_general3A {dimension_numbers = #tpu.dot_dimension_numbers<[1], [1], [0], [0], [0, 0, 1, 0], [], []>, transpose_lhs_hint = false} : vector<2048x64xf32>, vector<64x64xf32>, vector<2048x64xf32> -> vector<2048x64xf32>
    %get3A_18 = arith.constant 0 : index
    %get3A_19 = arith.constant 0 : index
    %get3A_20 = vector.load %arg5[%get3A_18, %get3A_19] : memref<1x64xf32, #tpu.memory_space<vmem>>, vector<1x64xf32>
    %add3A_21 = vector.broadcast %get3A_20 : vector<1x64xf32> to vector<2048x64xf32>
    %add3A_22 = arith.addf %dot_general3A_17, %add3A_21 : vector<2048x64xf32>
    %ge3A = arith.constant 0.000000e+00 : f32
    %ge3A_23 = vector.broadcast %ge3A : f32 to vector<2048x64xf32>
    %ge3A_24 = arith.cmpf oge, %add3A_22, %ge3A_23 : vector<2048x64xf32>
    %mul3A = arith.constant 2.000000e-01 : f32
    %mul3A_25 = vector.broadcast %mul3A : f32 to vector<2048x64xf32>
    %mul3A_26 = arith.mulf %mul3A_25, %add3A_22 : vector<2048x64xf32>
    %select_n3A_27 = arith.select %ge3A_24, %add3A_22, %mul3A_26 : vector<2048x64xi1>, vector<2048x64xf32>
    %swap3A = arith.constant 0 : index
    %swap3A_28 = arith.constant 0 : index
    %swap3A_29 = vector.load %arg6[%swap3A, %swap3A_28] : memref<2048x64xf32, #tpu.memory_space<vmem>>, vector<2048x64xf32>
    tpu.vector_store %arg6[%swap3A, %swap3A_28], %select_n3A_27 {strides = array<i32>} : memref<2048x64xf32, #tpu.memory_space<vmem>>, vector<2048x64xf32>,
    return
  }
  func.func @transform_0(%arg0: i32) -> (i32, i32) {
    %c0_i32 = arith.constant 0 : i32
    %c0_i32_0 = arith.constant 0 : i32
    return %arg0, %c0_i32 : i32, i32
  }
  func.func @transform_1(%arg0: i32) -> (i32, i32) {
    %c0_i32 = arith.constant 0 : i32
    %c0_i32_0 = arith.constant 0 : i32
    return %arg0, %c0_i32 : i32, i32
  }
  func.func @transform_2(%arg0: i32) -> (i32, i32) {
    %c0_i32 = arith.constant 0 : i32
    %c0_i32_0 = arith.constant 0 : i32
    return %arg0, %c0_i32 : i32, i32
  }
  func.func @transform_3(%arg0: i32) -> (i32, i32) {
    %c0_i32 = arith.constant 0 : i32
    %c0_i32_0 = arith.constant 0 : i32
    %c0_i32_1 = arith.constant 0 : i32
    return %c0_i32, %c0_i32_0 : i32, i32
  }
  func.func @transform_4(%arg0: i32) -> (i32, i32) {
    %c0_i32 = arith.constant 0 : i32
    %c0_i32_0 = arith.constant 0 : i32
    %c0_i32_1 = arith.constant 0 : i32
    return %c0_i32, %c0_i32_0 : i32, i32
  }
  func.func @transform_5(%arg0: i32) -> (i32, i32) {
    %c0_i32 = arith.constant 0 : i32
    %c0_i32_0 = arith.constant 0 : i32
    return %arg0, %c0_i32 : i32, i32
  }
}

</mosaic_0001>

<sc_bundles>
// kernel: kernel.4.cloned.1.call-start
scs
__scs_entry_jumppad:
0x0: {  	(pc) =	sbr.rel $0x88, $3  }
0x1: {  	(tag) =	ssettag $0x0;
	lr =	simm.s32 $0x1  }
0x2: {  	[smem:$0x3F9C] =	sst lr;
	_ =	strace $0xD0000000  }
0x3: {  	_ = 	snop  }
0x4: {  	_ = 	snop  }
0x5: {  	_ = 	snop  }
0x6: {  	_ = 	snop  }
0x7: {  	_ = 	snop  }
__scs_overlays_trampoline_lowered:
0x8: {  	[smem:$0x3FAB] =	sst s0  }
0x9: {  	[smem:$0x3FAC] =	sst s1  }
0xa: {  	[smem:$0x3FAD] =	sst s2  }
0xb: {  	[smem:$0x3FAE] =	sst s3  }
0xc: {  	[smem:$0x3FAF] =	sst s4  }
0xd: {  	[smem:$0x3FB0] =	sst s5  }
0xe: {  	[smem:$0x3FB1] =	sst s6  }
0xf: {  	[smem:$0x3FB2] =	sst s7  }
0x10: {  	[smem:$0x3FB3] =	sst s8  }
0x11: {  	[smem:$0x3FB4] =	sst s9;
	s0 =	simm.s32 @!p0 $0x0  }
0x12: {  	s1 =	sld [smem:$0x3F9A];
	s0 =	simm.s32 @p0 $0x1  }
0x13: {  	[smem:$0x3FB5] =	sst s0;
	s0 =	simm.s32 @!p1 $0x0  }
0x14: {  	s2 =	sld [smem:$0x3F99];
	s0 =	simm.s32 @p1 $0x1  }
0x15: {  	[smem:$0x3FB6] =	sst s0;
	s0 =	simm.s32 @!p2 $0x0  }
0x16: {  	s3 =	sld [smem:$0x3FDB];
	s0 =	simm.s32 @p2 $0x1  }
0x17: {  	s4 =	simm.s32 $0x1BF5;
	[smem:$0x3FB8] =	sst s0  }
0x18: {  	s0 =	sld [smem:$0x3F9B];
	_ =	swait.ge [sflag:s4], $0x0  }
0x19: {  	s7 =	sld [smem:$0x3F9C]  }
0x1a: {  	s8 =	sadd.s32 $0xFFFFE003, lr  }
0x1b: {  	s9 =	sadd.s32 $0xFFFFFEF7, lr;
	s5 =	simm.s32 $0xFFFFFFFF;
	p2 =	slt.u32 s8, $0xFFFFF086  }
0x1c: {  	p1 =	slt.u32 s9, $0xF7A;
	s5 =	simm.s32 @!p2 $0x0  }
0x1d: {  	s5 =	simm.s32 @p1 $0x1;
	p0 =	seq.s32 s7, s2  }
0x1e: {  	s7 =	smul.u32 @!p0 $0xF7A, s2;
	p2 =	seq.s32 @!p0 s5, $0x0  }
0x1f: {  	s9 =	smul.u32 $0xF7A, s1;
	s8 =	simm.s32 @!p0 $0x1BF5;
	p2 =	por !p2, p0  }
0x20: {  	[sflag:s8] =	ssyncset.s32 @!p0 $0xFFFFF086;
	s6 =	sadd.s32 @!p0 s3, s7;
	s7 =	simm.s32 @!p0 $0x108  }
0x21: {  	s3 =	sadd.s32 s3, s9;
	s6 =	sadd.s32 @!p0 $0x88, s6;
	s7 =	simm.s32 @p2 $0x1082  }
0x22: {  	[simem:s7], [sflag:s8] =	dma.local @!p0 [hbm:s6], $0xF7A  }
0x23: {  	s9 =	sor.u32 $0xD0000000, s2;
	s6 =	simm.s32 $0x108;
	_ =	swait.ge @!p0 [sflag:s8], $0x0  }
0x24: {  	s3 =	sadd.s32 $0x88, s3;
	s6 =	simm.s32 @!p1 $0x1082;
	[sflag:s4] =	ssyncset.s32 $0xFFFFF086  }
0x25: {  	[simem:s6], [sflag:s4] =	dma.local [hbm:s3], $0xF7A  }
0x26: {  	[smem:$0x3F9C] =	sst s1;
	(tag) =	ssettag s2;
	_ =	strace s9  }
0x27: {  	s1 =	sld [smem:$0x3FAC]  }
0x28: {  	s2 =	sld [smem:$0x3FAD]  }
0x29: {  	s4 =	sld [smem:$0x3FAF]  }
0x2a: {  	p0 =	seq.s32 s5, $0x0;
	s5 =	sld [smem:$0x3FB0]  }
0x2b: {  	s6 =	sld [smem:$0x3FB1]  }
0x2c: {  	s7 =	sld [smem:$0x3FB2]  }
0x2d: {  	s3 =	simm.s32 $0x108;
	s8 =	sld [smem:$0x3FB3]  }
0x2e: {  	s3 =	simm.s32 @!p0 $0x1082;
	s9 =	sld [smem:$0x3FB4]  }
0x2f: {  	lr =	sadd.s32 s0, s3;
	s0 =	sld [smem:$0x3FAB]  }
0x30: {  	s3 =	sld [smem:$0x3FAE]  }
0x31: {  	[smem:$0x3FB7] =	sst s10  }
0x32: {  	s10 =	sld [smem:$0x3FB5];
	_ =	sdelay $0x3  }
0x33: {  	p0 =	seq.s32 s10, $0x1;
	s10 =	sld [smem:$0x3FB7];
	_ =	sdelay $0x3  }
0x34: {  	[smem:$0x3FB7] =	sst s10  }
0x35: {  	s10 =	sld [smem:$0x3FB6];
	_ =	sdelay $0x3  }
0x36: {  	p1 =	seq.s32 s10, $0x1;
	s10 =	sld [smem:$0x3FB7];
	_ =	sdelay $0x3  }
0x37: {  	[smem:$0x3FB7] =	sst s10  }
0x38: {  	s10 =	sld [smem:$0x3FB8]  }
0x39: {  	_ = 	snop;
	(pc) =	sbr.ind lr, $3  }
0x3a: {  	_ = 	snop  }
0x3b: {  	_ = 	snop  }
0x3c: {  	p2 =	seq.s32 s10, $0x1;
	s10 =	sld [smem:$0x3FB7]  }
0x3d: {  	_ =	shalt  }
0x3e: {  	_ =	shalt  }
0x3f: {  	_ =	shalt  }
0x40: {  	_ =	shalt  }
0x41: {  	_ =	shalt  }
0x42: {  	_ =	shalt  }
0x43: {  	_ =	shalt  }
0x44: {  	_ =	shalt  }
0x45: {  	_ =	shalt  }
0x46: {  	_ =	shalt  }
0x47: {  	_ =	shalt  }
0x48: {  	_ =	shalt  }
0x49: {  	_ =	shalt  }
0x4a: {  	_ =	shalt  }
0x4b: {  	_ =	shalt  }
0x4c: {  	_ =	shalt  }
0x4d: {  	_ =	shalt  }
0x4e: {  	_ =	shalt  }
0x4f: {  	_ =	shalt  }
0x50: {  	_ =	shalt  }
0x51: {  	_ =	shalt  }
0x52: {  	_ =	shalt  }
0x53: {  	_ =	shalt  }
0x54: {  	_ =	shalt  }
0x55: {  	_ =	shalt  }
0x56: {  	_ =	shalt  }
0x57: {  	_ =	shalt  }
0x58: {  	_ =	shalt  }
0x59: {  	_ =	shalt  }
0x5a: {  	_ =	shalt  }
0x5b: {  	_ =	shalt  }
0x5c: {  	_ =	shalt  }
0x5d: {  	_ =	shalt  }
0x5e: {  	_ =	shalt  }
0x5f: {  	_ =	shalt  }
0x60: {  	_ =	shalt  }
0x61: {  	_ =	shalt  }
0x62: {  	_ =	shalt  }
0x63: {  	_ =	shalt  }
0x64: {  	_ =	shalt  }
0x65: {  	_ =	shalt  }
0x66: {  	_ =	shalt  }
0x67: {  	_ =	shalt  }
0x68: {  	_ =	shalt  }
0x69: {  	_ =	shalt  }
0x6a: {  	_ =	shalt  }
0x6b: {  	_ =	shalt  }
0x6c: {  	_ =	shalt  }
0x6d: {  	_ =	shalt  }
0x6e: {  	_ =	shalt  }
0x6f: {  	_ =	shalt  }
0x70: {  	_ =	shalt  }
0x71: {  	_ =	shalt  }
0x72: {  	_ =	shalt  }
0x73: {  	_ =	shalt  }
0x74: {  	_ =	shalt  }
0x75: {  	_ =	shalt  }
0x76: {  	_ =	shalt  }
0x77: {  	_ =	shalt  }
0x78: {  	_ =	shalt  }
0x79: {  	_ =	shalt  }
0x7a: {  	_ =	shalt  }
0x7b: {  	_ =	shalt  }
0x7c: {  	_ =	shalt  }
0x7d: {  	_ =	shalt  }
0x7e: {  	_ =	shalt  }
0x7f: {  	_ =	shalt  }
0x80: {  	_ =	shalt  }
0x81: {  	_ =	shalt  }
0x82: {  	_ =	shalt  }
0x83: {  	_ =	shalt  }
0x84: {  	_ =	shalt  }
0x85: {  	_ =	shalt  }
0x86: {  	_ =	shalt  }
0x87: {  	_ =	shalt  }
.Lfunc_end0:
.L_simem_size_0:
called_computation_lowered:
.L_overlay_start_0:
0x88: {  	s2 =	sld [smem:$0x3FD9]  }
0x89: {  	s3 =	sld [smem:$0x3FFE];
	_ =	sdelay $0x1  }
0x8a: {  	s1 =	srdreg.scid  }
0x8b: {  	s0 =	sand.u32 $0x1, s1  }
0x8c: {  	s16 =	sshll.u32 s0, $0xA;
	s2 =	sadd.s32 s3, s2  }
0x8d: {  	s2 =	sadd.s32 s2, s16  }
0x8e: {  	[smem:$0x3FC3] =	sst s2  }
0x8f: {  	_ = 	snop  }
0x90: {  	(tm) =	ssettm $0x1  }
0x91: {  	s17 =	sld [smem:$0x3FFB];
	_ =	sdelay $0x3  }
0x92: {  	_ =	strace s17  }
0x93: {  	s2 =	sld [smem:$0x3FFC];
	_ =	sdelay $0x3  }
0x94: {  	_ =	strace s2  }
0x95: {  	s2 =	sld [smem:$0x3FFD];
	_ =	sdelay $0x3  }
0x96: {  	_ =	strace s2  }
0x97: {  	_ =	strace $0x8FFFFFFF  }
0x98: {  	s18 =	sld [smem:$0x3FDB];
	_ =	sdelay $0x1  }
0x99: {  	s19 =	simm.s32 $_scs_section_size  }
0x9a: {  	s4 =	simm.s32 $_size__tile_overlayer_lowered;
	s5 =	simm.s32 $_tile_overlayer_lowered  }
0x9b: {  	s22 =	simm.s32 $0x1BFF;
	s21 =	sshll.u32 s5, $0x1;
	s2 =	sadd.s32 s19, s18  }
0x9c: {  	s6 =	simm.s32 $0x0;
	s20 =	sshll.u32 s4, $0x1;
	s4 =	sadd.s32 s21, s2  }
0x9d: {  	[timem:s6], [sflag:s22] =	dma.local [hbm:s4], s20  }
0x9e: {  	_ =	swait.ge [sflag:s22], s20  }
0x9f: {  	s3 =	ssub.s32 $0x0, s20;
	[sflag:s22] =	ssyncset.done $0x0  }
0xa0: {  	[sflag:s22] =	ssyncadd.s32 s3;
	_ =	sdelay $0x1  }
0xa1: {  	s23 =	simm.s32 $0x1B8B  }
0xa2: {  	_ =	swait.ge [sflag:s23], $0x1  }
0xa3: {  	[sflag:s23] =	ssyncset.done $0x0  }
0xa4: {  	s25 =	simm.s32 $0x1B8E;
	s24 =	sld [smem:$0x3FFE];
	[sflag:s23] =	ssyncadd.s32 $0xFFFFFFFF  }
0xa5: {  	s26 =	simm.s32 $execute0_lowered;
	[smem:$0x3FD2] =	sst s25  }
0xa6: {  	s4 =	sshll.u32 s26, $0x1;
	_ =	strace $0x80000046;
	[dreg:$0x1] =	wrdreg $0xFFFFFFFF  }
0xa7: {  	s28 =	simm.s32 $_size_execute0_lowered;
	s2 =	sadd.s32 s2, s4;
	[dreg:$0x0] =	wrdreg $0x0  }
0xa8: {  	s4 =	sshll.u32 s28, $0x1;
	[dreg:$0x2] =	wrdreg s2  }
0xa9: {  	[dreg:$0x3] =	wrdreg s4  }
0xaa: {  	[dreg:$0x4] =	wrdreg $0xC0  }
0xab: {  	_ =	task [dreg:s6], $0x5FFFF  }
0xac: {  	[dreg:$0x1] =	wrdreg $0xFFFFFFFF  }
0xad: {  	[dreg:$0x0] =	wrdreg $0x60  }
0xae: {  	[dreg:$0x2] =	wrdreg s24  }
0xaf: {  	[dreg:$0x3] =	wrdreg $0x9  }
0xb0: {  	_ =	task.clear_ibuf [dreg:s6], $0x4FFFF;
	_ =	strace $0x90000046  }
0xb1: {  	s29 =	simm.s32 $0x9;
	_ =	strace $0x80000048  }
0xb2: {  	_ =	swait.ge [sflag:s29], $0x1  }
0xb3: {  	[sflag:s29] =	ssyncadd.s32 $0xFFFFFFFF  }
0xb4: {  	_ =	strace $0x90000048  }
0xb5: {  	_ =	sfence  }
0xb6: {  	s30 =	sld [smem:$0x0];
	_ =	sdelay $0x2  }
0xb7: {  	s31 =	sshll.u32 s1, $0xD;
	s1 =	sshrl.u32 s1, $0x2  }
0xb8: {  	s3 =	sand.u32 $0x4000, s31;
	s1 =	sadd.s32 s1, s30  }
0xb9: {  	s0 =	sor.u32 s3, s0;
	s1 =	sshll.u32 s1, $0x11  }
0xba: {  	s0 =	sor.u32 s1, s0  }
0xbb: {  	s0 =	sadd.s32 $0x8F2B, s0  }
0xbc: {  	[sflag:s0] =	ssyncadd.remote.s32 $0x1  }
0xbd: {  	_ =	sfence.sel $0xFFFF  }
0xbe: {  	[dreg:$0x0] =	wrdreg $0xFFFFFFFF;
	(pc) =	sbr.abs _section_cstart, $3  }
0xbf: {  	[dreg:$0x1] =	wrdreg $0xFFFFFFFF  }
0xc0: {  	_ =	task.clear_ibuf [dreg:s6], $0x2FFFF;
	_ =	strace $0x9FFFFFFF  }
0xc1: {  	(tm) =	ssettm $0x7FFFFFFF  }
tec
execute0_lowered:
.L_overlay_start_1:
0x0: {  	(tag) =	ssettag $0x1  }
0x1: {  	s1 =	srdreg.scid  }
0x2: {  	s0 =	stileid.u32;
	s9 =	sand.u32 $0x1, s1  }
0x3: {  	s30 =	sshll.u32 s0, $0xA;
	s2 =	sshll.u32 s9, $0x9  }
0x4: {  	s14 =	rddreg [dreg:$0x0];
	s15 =	sor.u32 s2, s30  }
0x5: {  	s1 =	rddreg [dreg:$0x1];
	s2 =	simm.s32 $0x0;
	s3 =	sshrl.u32 s15, $0x3  }
0x6: {  	[smem:$0x7FF] =	sst s2;
	s3 =	sadd.s32 s3, s14  }
0x7: {  	_ =	strace $0x80000047;
	s4 =	sadd.s32 $0x1200, s3;
	s3 =	simm.s32 $0x2  }
0x8: {  	[tilespmem:s2], [sflag:$0x2] =	stream.linear.gather [hbm4b:s4+s2], $0x200, $0x38;
	[tilespmem:$0x10200] =	vst v63  }
0x9: {  	s6 =	simm.s32 $0x80;
	s7 =	simm.s32 $0x200;
	_ =	swait.ge [sflag:s3], $0x200  }
0xa: {  	s8 =	simm.s32 $0x4200;
	s10 =	simm.s32 $0x8200;
	[sflag:s3] =	ssyncset.done $0x0  }
0xb: {  	s5 =	sadd.s32 $0xF43600, s14;
	s16 =	ssub.s32 $0x2, s9;
	[sflag:s3] =	ssyncadd.s32 $0xFFFFFE00  }
0xc: {  	[tilespmem:s7], [sflag:$0x1] =	stream.indirect.gather [hbm4b:s5+s6], $0x80, s2, s6, $0xb8;
	[tilespmem:$0x10200] =	vst v63  }
0xd: {  	s11 =	simm.s32 $0x180;
	s12 =	simm.s32 $0xC200;
	s17 =	sshrl.u32 s16, $0x1  }
0xe: {  	[tilespmem:s8], [sflag:$0x1] =	stream.indirect.gather [hbm4b:s5+s6], $0x80, s6, s6, $0xb8;
	[tilespmem:$0x10200] =	vst v63  }
0xf: {  	s9 =	simm.s32 $0x100;
	s15 =	sshll.u32 s15, $0x4;
	s31 =	ssub.s32 s16, s17  }
0x10: {  	[tilespmem:s10], [sflag:$0x1] =	stream.indirect.gather [hbm4b:s5+s6], $0x80, s9, s6, $0xb8;
	[tilespmem:$0x10200] =	vst v63  }
0x11: {  	s13 =	simm.s32 $0x1;
	s14 =	sadd.s32 s15, s14;
	s15 =	smax.u32 s31, $0x1  }
0x12: {  	[tilespmem:s12], [sflag:$0x1] =	stream.indirect.gather [hbm4b:s5+s6], $0x80, s11, s6, $0xb8;
	[tilespmem:$0x10200] =	vst v63  }
0x13: {  	p0 =	sne.s32 s15, $0x1;
	_ =	swait.ge [sflag:s13], $0x10000  }
.Ltmp0:
0x14: {  	[sflag:s13] =	ssyncset.done $0x0;
	(pc) =	sbr.rel @!p0 .LBB2_2-.Ltmp0, $4  }
0x15: {  	s14 =	sadd.s32 $0x1A00, s14;
	[sflag:s13] =	ssyncadd.s32 $0xFFFF0000  }
0x16: {  	[hbm4b:s14+s2] =	stream.linear.scatter [tilespmem:s7], [sflag:$0x2], $0x10000, $0x38;
	[tilespmem:$0x10200] =	vst v63  }
0x17: {  	_ =	swait.ge [sflag:s3], $0x10000  }
0x18: {  	s15 =	sadd.s32 $0xFFFFFFFF, s15;
	[sflag:s3] =	ssyncset.done $0x0  }
.LBB2_1:
0x19: {  	p0 =	sne.s32 s15, $0x1;
	s15 =	sadd.s32 $0xFFFFFFFF, s15;
	[sflag:s3] =	ssyncadd.s32 $0xFFFF0000  }
0x1a: {  	[tilespmem:s2], [sflag:$0x2] =	stream.linear.gather [hbm4b:s4+s2], $0x200, $0x38;
	[tilespmem:$0x10200] =	vst v63  }
0x1b: {  	_ =	swait.ge [sflag:s3], $0x200  }
0x1c: {  	[sflag:s3] =	ssyncset.done $0x0  }
0x1d: {  	[sflag:s3] =	ssyncadd.s32 $0xFFFFFE00  }
0x1e: {  	[tilespmem:s7], [sflag:$0x1] =	stream.indirect.gather [hbm4b:s5+s6], $0x80, s2, s6, $0xb8;
	[tilespmem:$0x10200] =	vst v63  }
0x1f: {  	_ = 	snop  }
0x20: {  	[tilespmem:s8], [sflag:$0x1] =	stream.indirect.gather [hbm4b:s5+s6], $0x80, s6, s6, $0xb8;
	[tilespmem:$0x10200] =	vst v63  }
0x21: {  	_ = 	snop  }
0x22: {  	[tilespmem:s10], [sflag:$0x1] =	stream.indirect.gather [hbm4b:s5+s6], $0x80, s9, s6, $0xb8;
	[tilespmem:$0x10200] =	vst v63  }
0x23: {  	_ = 	snop  }
0x24: {  	[tilespmem:s12], [sflag:$0x1] =	stream.indirect.gather [hbm4b:s5+s6], $0x80, s11, s6, $0xb8;
	[tilespmem:$0x10200] =	vst v63  }
0x25: {  	_ =	swait.ge [sflag:s13], $0x10000  }
.Ltmp1:
0x26: {  	[sflag:s13] =	ssyncset.done $0x0;
	(pc) =	sbr.rel @p0 .LBB2_1-.Ltmp1, $4  }
0x27: {  	[sflag:s13] =	ssyncadd.s32 $0xFFFF0000  }
0x28: {  	[hbm4b:s14+s2] =	stream.linear.scatter [tilespmem:s7], [sflag:$0x2], $0x10000, $0x38;
	[tilespmem:$0x10200] =	vst v63  }
0x29: {  	_ =	swait.ge [sflag:s3], $0x10000  }
0x2a: {  	[sflag:s3] =	ssyncset.done $0x0  }
.LBB2_2:
0x2b: {  	[sflag:s3] =	ssyncadd.s32 $0xFFFF0000  }
0x2c: {  	_ =	sfence.sel $0x180000  }
0x2d: {  	[bflag:$0x0] =	sbarrier.arrive $0xFFFF  }
0x2e: {  	p0 =	sne.s32 s0, $0x0;
	_ =	strace $0x90000047  }
0x2f: {  	s0 =	sadd.s32 @!p0 $0x100000, s1;
	[bflag:$0x2] =	sbarrier.arrive $0xFFFF  }
0x30: {  	[sflag:s0] =	ssyncadd.tile.s32 @!p0 $0x1;
	_ =	shalt  }
.Lfunc_end2:
_tile_overlayer_lowered:
.L_overlay_start_2:
0x31: {  	(tag) =	ssettag $0x2  }
0x32: {  	s0 =	rddreg [dreg:$0x0];
	s2 =	stileid.u32  }
0x33: {  	s1 =	rddreg [dreg:$0x1];
	p0 =	sne.s32 s2, $0x0  }
0x34: {  	s3 =	rddreg [dreg:$0x2];
	[bflag:$0x3] =	sbarrier.arrive $0xFFFF;
	s2 =	simm.s32 @!p0 $0x1C02  }
0x35: {  	[timem:s3], [sflag:s2] =	dma.local @!p0 [hbm:s0], s1  }
0x36: {  	s0 =	simm.s32 @!p0 $0x2  }
0x37: {  	_ =	swait.ge @!p0 [sflag:s0], s1  }
0x38: {  	s1 =	ssub.s32 @!p0 $0x0, s1;
	[sflag:s0] =	ssyncset.done @!p0 $0x0  }
0x39: {  	[sflag:s0] =	ssyncadd.s32 @!p0 s1  }
0x3a: {  	[bflag:$0x3] =	sbarrier.arrive $0xFFFF  }
0x3b: {  	_ =	shalt  }

</sc_bundles>
